<compile_context>
chip_gen: v7x
topology: tpu7x:2x2x1
jax: 0.10.2.dev20260603
libtpu: 0.0.44.dev20260713+nightly
codegen_flags: <defaults>
</compile_context>

<pallas_src>
import functools

import jax
import jax.numpy as jnp
from jax import lax
from jax.experimental import pallas as pl
from jax.experimental.pallas import tpu as pltpu
from jax.experimental.pallas import tpu_sc as plsc

_LANES = 16


def _invert_arcs_kernel(
    perm_hbm, plab_hbm, allow_hbm, col_hbm, val_hbm,
    perm_v, plab_v, w_v, sem,
):
    info = plsc.get_sparse_core_info()
    n_workers = info.num_cores * info.num_subcores
    a_dim = perm_hbm.shape[0]
    chunk = a_dim // n_workers
    wid = lax.axis_index("s") * info.num_cores + lax.axis_index("c")
    base = wid * chunk
    pltpu.sync_copy(perm_hbm.at[pl.ds(base, chunk)], perm_v)
    pltpu.sync_copy(plab_hbm.at[pl.ds(base, chunk)], plab_v)
    pltpu.sync_copy(allow_hbm.at[pl.ds(base, chunk)], w_v)
    for j in range(chunk // _LANES):
        sl = pl.ds(j * _LANES, _LANES)
        w_v[sl] = jnp.exp(w_v[sl])
    copy_col = pltpu.async_copy(plab_v, col_hbm.at[perm_v], sem)
    copy_val = pltpu.async_copy(w_v, val_hbm.at[perm_v], sem)
    copy_col.wait()
    copy_val.wait()


def _allo_block_kernel(col_ref, val_ref, x_ref, out_ref, m_ref, *, num_p):
    @pl.when(pl.program_id(0) == 0)
    def _build_m():
        c_dim = m_ref.shape[0]
        iota_p = jax.lax.broadcasted_iota(jnp.int32, (c_dim, num_p), 1)
        m = jnp.where(iota_p == col_ref[...], val_ref[...], 0.0)
        m_ref[...] = m.astype(jnp.bfloat16)

    x = x_ref[...]
    eb = jnp.exp(x.astype(jnp.bfloat16))
    z = jnp.sum(eb, axis=1, keepdims=True).astype(jnp.float32)
    g = jnp.dot(eb, m_ref[...], preferred_element_type=jnp.float32)
    sg = jnp.sum(g, axis=1, keepdims=True)
    out_ref[...] = jnp.log(g - (sg - z) * (1.0 / num_p)) - jnp.log(z)


def kernel(hs_pad, alloW, phone_arc_labels, phoneme_arc_labels):
    b_dim, t_dim, c_dim = hs_pad.shape
    a_dim = alloW.shape[0]
    p_dim = 512
    rows = b_dim * t_dim
    block_r = min(2048, rows)
    grid = (rows // block_r,)

    col, val = pl.kernel(
        _invert_arcs_kernel,
        out_type=[
            jax.ShapeDtypeStruct((c_dim,), jnp.int32),
            jax.ShapeDtypeStruct((c_dim,), jnp.float32),
        ],
        mesh=plsc.VectorSubcoreMesh(core_axis_name="c", subcore_axis_name="s"),
        compiler_params=pltpu.CompilerParams(needs_layout_passes=False),
        scratch_types=[
            pltpu.VMEM((a_dim // 32,), jnp.int32),
            pltpu.VMEM((a_dim // 32,), jnp.int32),
            pltpu.VMEM((a_dim // 32,), jnp.float32),
            pltpu.SemaphoreType.DMA,
        ],
    )(phone_arc_labels, phoneme_arc_labels, alloW)

    x2d = hs_pad.reshape(rows, c_dim)
    col2 = col.reshape(c_dim, 1)
    val2 = val.reshape(c_dim, 1)

    out = pl.pallas_call(
        functools.partial(_allo_block_kernel, num_p=p_dim),
        grid=grid,
        in_specs=[
            pl.BlockSpec((c_dim, 1), lambda i: (0, 0)),
            pl.BlockSpec((c_dim, 1), lambda i: (0, 0)),
            pl.BlockSpec((block_r, c_dim), lambda i: (i, 0)),
        ],
        out_specs=pl.BlockSpec((block_r, p_dim), lambda i: (i, 0)),
        out_shape=jax.ShapeDtypeStruct((rows, p_dim), jnp.float32),
        scratch_shapes=[pltpu.VMEM((c_dim, p_dim), jnp.bfloat16)],
        compiler_params=pltpu.CompilerParams(
            dimension_semantics=("arbitrary",),
            vmem_limit_bytes=62 * 1024 * 1024,
        ),
    )(col2, val2, x2d)
    return out.reshape(b_dim, t_dim, p_dim)

# --- scband reference (transcript-rebuilt; emitter-appended) ---
"""Pipeline reference for scband-allo-layer-60035052863916 (READ-ONLY COPY).

The authoritative reference and input builder live on the scoring server;
editing this copy changes nothing except your own understanding.
"""

import jax, jax.numpy as jnp
import numpy as np

B, T, C, A, P = 8, 2048, 2048, 2048, 512


def setup_inputs(seed: int = 0) -> dict:
    key = jax.random.key(seed)
    k1, k2, k3 = jax.random.split(key, 3)
    # forward input (fill=rand keeps softmax probs well-conditioned for the log() at the end,
    # matching how a trained allophone layer behaves)
    hs_pad = jax.random.uniform(k1, (B, T, C), dtype=jnp.float32)
    # learned allophone arc weights (parameter of AlloLayer), near-zero as in gtn init
    alloW = 0.01 * jax.random.normal(k2, (A,), dtype=jnp.float32)
    # input (phone) label of each arc of alloG: each phone appears exactly once (A == C)
    phone_arc_labels = jax.random.permutation(k3, jnp.arange(A, dtype=jnp.int32))
    # output (phoneme) label of each arc: many arcs map to one phoneme (A/P = 4 arcs per phoneme)
    phoneme_arc_labels = (jnp.arange(A, dtype=jnp.int32) % P).astype(jnp.int32)
    return {
        "hs_pad": hs_pad,
        "alloW": alloW,
        "phone_arc_labels": phone_arc_labels,
        "phoneme_arc_labels": phoneme_arc_labels,
    }


def reference(hs_pad, alloW, phone_arc_labels, phoneme_arc_labels):
    # log_softmax over phones (AlloLayer.forward)
    log_probs = jax.nn.log_softmax(hs_pad, axis=-1)
    # Allo.apply: intersect(linear_graph(log_probs), alloG).
    # For a single-state allophone FST this yields, per frame, one weight per arc:
    #   new_emissions[b, t, a] = log_probs[b, t, phone_arc_labels[a]] + alloW[a]
    new_emissions = jnp.take(log_probs, phone_arc_labels, axis=-1) + alloW[None, None, :]
    # squash_many_phonemes_for_one_phone
    e = jnp.exp(new_emissions)
    squashed = jnp.zeros((hs_pad.shape[0], hs_pad.shape[1], P), dtype=e.dtype)
    squashed = squashed.at[:, :, phoneme_arc_labels].add(e)  # index_add_ over last dim
    # redis == True branch
    redistributed = (jnp.sum(squashed, axis=-1) - 1.0)[..., None] / P
    squashed = squashed - redistributed
    return jnp.log(squashed)

if __name__ == "__main__":
    import jax
    _d = setup_inputs()
    print(jax.jit(kernel)(*tuple(_d.values())))

</pallas_src>

<mosaic_0001>
#map = affine_map<(d0, d1) -> (0)>
module attributes {stable_mosaic.version = 14 : i64} {
  func.func @_invert_arcs_kernel(%arg0: i32, %arg1: i32, %arg2: memref<2048xi32, #tpu.memory_space<hbm>>, %arg3: memref<2048xi32, #tpu.memory_space<hbm>>, %arg4: memref<2048xf32, #tpu.memory_space<hbm>>, %arg5: memref<2048xi32, #tpu.memory_space<hbm>>, %arg6: memref<2048xf32, #tpu.memory_space<hbm>>, %arg7: memref<64xi32, #tpu.memory_space<vmem>>, %arg8: memref<64xi32, #tpu.memory_space<vmem>>, %arg9: memref<64xf32, #tpu.memory_space<vmem>>, %arg10: memref<!tpu.dma_semaphore, #tpu.memory_space<semaphore_mem>>) attributes {dimension_semantics = [#tpu.dimension_semantics<core_parallel>, #tpu.dimension_semantics<subcore_parallel>], iteration_bounds = array<i64: 2, 16>, scalar_prefetch = 0 : i64, scratch_operands = 4 : i64, tpu.core_type = #tpu.core_type<sc_vector_subcore>, window_params = [{transform_indices = #map}, {transform_indices = #map}, {transform_indices = #map}, {transform_indices = #map}, {transform_indices = #map}]} {
    %mul3A = arith.constant 2 : i32
    %mul3A_0 = arith.muli %arg1, %mul3A : i32
    %add3A = arith.addi %mul3A_0, %arg0 : i32
    %mul3A_1 = arith.constant 64 : i32
    %mul3A_2 = arith.muli %add3A, %mul3A_1 : i32
    "tpu.region"() ({
      %run_scoped3A = tpu.sem_alloc : memref<!tpu.dma_semaphore, #tpu.memory_space<semaphore_mem>>
      %dma_start3A_26 = tpu.memref_slice %arg2[%mul3A_2] : memref<2048xi32, #tpu.memory_space<hbm>> -> memref<64xi32, #tpu.memory_space<hbm>>
      %dma_start3A_27 = tpu.memref_slice %arg2[%mul3A_2] : memref<2048xi32, #tpu.memory_space<hbm>> -> memref<64xi32, #tpu.memory_space<hbm>>
      tpu.enqueue_dma source(%dma_start3A_27 : memref<64xi32, #tpu.memory_space<hbm>>) target(%arg7 : memref<64xi32, #tpu.memory_space<vmem>>) target_semaphore(%run_scoped3A : memref<!tpu.dma_semaphore, #tpu.memory_space<semaphore_mem>>)
      %dma_wait3A_28 = tpu.memref_slice %arg2[%mul3A_2] : memref<2048xi32, #tpu.memory_space<hbm>> -> memref<64xi32, #tpu.memory_space<hbm>>
      %dma_wait3A_29 = tpu.memref_slice %arg2[%mul3A_2] : memref<2048xi32, #tpu.memory_space<hbm>> -> memref<64xi32, #tpu.memory_space<hbm>>
      tpu.wait_dma2 semaphore(%run_scoped3A : memref<!tpu.dma_semaphore, #tpu.memory_space<semaphore_mem>>) src(%dma_wait3A_29 : memref<64xi32, #tpu.memory_space<hbm>>) dst(%arg7 : memref<64xi32, #tpu.memory_space<vmem>>)
      tpu.yield
    }) : () -> ()
    "tpu.region"() ({
      %run_scoped3A = tpu.sem_alloc : memref<!tpu.dma_semaphore, #tpu.memory_space<semaphore_mem>>
      %dma_start3A_26 = tpu.memref_slice %arg3[%mul3A_2] : memref<2048xi32, #tpu.memory_space<hbm>> -> memref<64xi32, #tpu.memory_space<hbm>>
      %dma_start3A_27 = tpu.memref_slice %arg3[%mul3A_2] : memref<2048xi32, #tpu.memory_space<hbm>> -> memref<64xi32, #tpu.memory_space<hbm>>
      tpu.enqueue_dma source(%dma_start3A_27 : memref<64xi32, #tpu.memory_space<hbm>>) target(%arg8 : memref<64xi32, #tpu.memory_space<vmem>>) target_semaphore(%run_scoped3A : memref<!tpu.dma_semaphore, #tpu.memory_space<semaphore_mem>>)
      %dma_wait3A_28 = tpu.memref_slice %arg3[%mul3A_2] : memref<2048xi32, #tpu.memory_space<hbm>> -> memref<64xi32, #tpu.memory_space<hbm>>
      %dma_wait3A_29 = tpu.memref_slice %arg3[%mul3A_2] : memref<2048xi32, #tpu.memory_space<hbm>> -> memref<64xi32, #tpu.memory_space<hbm>>
      tpu.wait_dma2 semaphore(%run_scoped3A : memref<!tpu.dma_semaphore, #tpu.memory_space<semaphore_mem>>) src(%dma_wait3A_29 : memref<64xi32, #tpu.memory_space<hbm>>) dst(%arg8 : memref<64xi32, #tpu.memory_space<vmem>>)
      tpu.yield
    }) : () -> ()
    "tpu.region"() ({
      %run_scoped3A = tpu.sem_alloc : memref<!tpu.dma_semaphore, #tpu.memory_space<semaphore_mem>>
      %dma_start3A_26 = tpu.memref_slice %arg4[%mul3A_2] : memref<2048xf32, #tpu.memory_space<hbm>> -> memref<64xf32, #tpu.memory_space<hbm>>
      %dma_start3A_27 = tpu.memref_slice %arg4[%mul3A_2] : memref<2048xf32, #tpu.memory_space<hbm>> -> memref<64xf32, #tpu.memory_space<hbm>>
      tpu.enqueue_dma source(%dma_start3A_27 : memref<64xf32, #tpu.memory_space<hbm>>) target(%arg9 : memref<64xf32, #tpu.memory_space<vmem>>) target_semaphore(%run_scoped3A : memref<!tpu.dma_semaphore, #tpu.memory_space<semaphore_mem>>)
      %dma_wait3A_28 = tpu.memref_slice %arg4[%mul3A_2] : memref<2048xf32, #tpu.memory_space<hbm>> -> memref<64xf32, #tpu.memory_space<hbm>>
      %dma_wait3A_29 = tpu.memref_slice %arg4[%mul3A_2] : memref<2048xf32, #tpu.memory_space<hbm>> -> memref<64xf32, #tpu.memory_space<hbm>>
      tpu.wait_dma2 semaphore(%run_scoped3A : memref<!tpu.dma_semaphore, #tpu.memory_space<semaphore_mem>>) src(%dma_wait3A_29 : memref<64xf32, #tpu.memory_space<hbm>>) dst(%arg9 : memref<64xf32, #tpu.memory_space<vmem>>)
      tpu.yield
    }) : () -> ()
    %get3A = arith.constant 0 : index
    %get3A_3 = tpu.vector_load %arg9[%get3A] {strides = array<i32>} : memref<64xf32, #tpu.memory_space<vmem>>, vector<16xf32>,
    %exp3A = math.exp %get3A_3 : vector<16xf32>
    %swap3A = arith.constant 0 : index
    %swap3A_4 = tpu.vector_load %arg9[%swap3A] {strides = array<i32>} : memref<64xf32, #tpu.memory_space<vmem>>, vector<16xf32>,
    tpu.vector_store %arg9[%swap3A], %exp3A {strides = array<i32>} : memref<64xf32, #tpu.memory_space<vmem>>, vector<16xf32>,
    %get3A_5 = arith.constant 16 : index
    %get3A_6 = tpu.vector_load %arg9[%get3A_5] {strides = array<i32>} : memref<64xf32, #tpu.memory_space<vmem>>, vector<16xf32>,
    %exp3A_7 = math.exp %get3A_6 : vector<16xf32>
    %swap3A_8 = arith.constant 16 : index
    %swap3A_9 = tpu.vector_load %arg9[%swap3A_8] {strides = array<i32>} : memref<64xf32, #tpu.memory_space<vmem>>, vector<16xf32>,
    tpu.vector_store %arg9[%swap3A_8], %exp3A_7 {strides = array<i32>} : memref<64xf32, #tpu.memory_space<vmem>>, vector<16xf32>,
    %get3A_10 = arith.constant 32 : index
    %get3A_11 = tpu.vector_load %arg9[%get3A_10] {strides = array<i32>} : memref<64xf32, #tpu.memory_space<vmem>>, vector<16xf32>,
    %exp3A_12 = math.exp %get3A_11 : vector<16xf32>
    %swap3A_13 = arith.constant 32 : index
    %swap3A_14 = tpu.vector_load %arg9[%swap3A_13] {strides = array<i32>} : memref<64xf32, #tpu.memory_space<vmem>>, vector<16xf32>,
    tpu.vector_store %arg9[%swap3A_13], %exp3A_12 {strides = array<i32>} : memref<64xf32, #tpu.memory_space<vmem>>, vector<16xf32>,
    %get3A_15 = arith.constant 48 : index
    %get3A_16 = tpu.vector_load %arg9[%get3A_15] {strides = array<i32>} : memref<64xf32, #tpu.memory_space<vmem>>, vector<16xf32>,
    %exp3A_17 = math.exp %get3A_16 : vector<16xf32>
    %swap3A_18 = arith.constant 48 : index
    %swap3A_19 = tpu.vector_load %arg9[%swap3A_18] {strides = array<i32>} : memref<64xf32, #tpu.memory_space<vmem>>, vector<16xf32>,
    tpu.vector_store %arg9[%swap3A_18], %exp3A_17 {strides = array<i32>} : memref<64xf32, #tpu.memory_space<vmem>>, vector<16xf32>,
    %dma_start3A = arith.constant 0 : i32
    %dma_start3A_20 = tpu.memref_slice %arg5[%dma_start3A] : memref<2048xi32, #tpu.memory_space<hbm>> -> memref<2048xi32, #tpu.memory_space<hbm>>
    tpu.enqueue_indirect_dma source(%arg8 : memref<64xi32, #tpu.memory_space<vmem>>) target(%dma_start3A_20 : memref<2048xi32, #tpu.memory_space<hbm>>) offsets(%arg7 : memref<64xi32, #tpu.memory_space<vmem>>) semaphore(%arg10 : memref<!tpu.dma_semaphore, #tpu.memory_space<semaphore_mem>>)
    %dma_start3A_21 = arith.constant 0 : i32
    %dma_start3A_22 = tpu.memref_slice %arg6[%dma_start3A_21] : memref<2048xf32, #tpu.memory_space<hbm>> -> memref<2048xf32, #tpu.memory_space<hbm>>
    tpu.enqueue_indirect_dma source(%arg9 : memref<64xf32, #tpu.memory_space<vmem>>) target(%dma_start3A_22 : memref<2048xf32, #tpu.memory_space<hbm>>) offsets(%arg7 : memref<64xi32, #tpu.memory_space<vmem>>) semaphore(%arg10 : memref<!tpu.dma_semaphore, #tpu.memory_space<semaphore_mem>>)
    %dma_wait3A = arith.constant 0 : i32
    %dma_wait3A_23 = tpu.memref_slice %arg5[%dma_wait3A] : memref<2048xi32, #tpu.memory_space<hbm>> -> memref<2048xi32, #tpu.memory_space<hbm>>
    tpu.wait_indirect_dma semaphore(%arg10 : memref<!tpu.dma_semaphore, #tpu.memory_space<semaphore_mem>>) src(%arg8 : memref<64xi32, #tpu.memory_space<vmem>>) dst(%dma_wait3A_23 : memref<2048xi32, #tpu.memory_space<hbm>>)
    %dma_wait3A_24 = arith.constant 0 : i32
    %dma_wait3A_25 = tpu.memref_slice %arg6[%dma_wait3A_24] : memref<2048xf32, #tpu.memory_space<hbm>> -> memref<2048xf32, #tpu.memory_space<hbm>>
    tpu.wait_indirect_dma semaphore(%arg10 : memref<!tpu.dma_semaphore, #tpu.memory_space<semaphore_mem>>) src(%arg9 : memref<64xf32, #tpu.memory_space<vmem>>) dst(%dma_wait3A_25 : memref<2048xf32, #tpu.memory_space<hbm>>)
    return
  }
}

module attributes {stable_mosaic.version = 14 : i64} {
  func.func @_allo_block_kernel(%arg0: i32, %arg1: memref<2048x1xi32, #tpu.memory_space<vmem>>, %arg2: memref<2048x1xf32, #tpu.memory_space<vmem>>, %arg3: memref<2048x2048xf32, #tpu.memory_space<vmem>>, %arg4: memref<2048x512xf32, #tpu.memory_space<vmem>>, %arg5: memref<2048x512xbf16, #tpu.memory_space<vmem>>) attributes {dimension_semantics = [#tpu.dimension_semantics<arbitrary>], iteration_bounds = array<i64: 8>, scalar_prefetch = 0 : i64, scratch_operands = 1 : i64, tpu.core_type = #tpu.core_type<tc>, window_params = [{pipeline_mode = #tpu.pipeline_mode<synchronous>, transform_indices = @transform_0, window_bounds = array<i64: 2048, 1>}, {pipeline_mode = #tpu.pipeline_mode<synchronous>, transform_indices = @transform_1, window_bounds = array<i64: 2048, 1>}, {transform_indices = @transform_2, window_bounds = array<i64: 2048, 2048>}, {transform_indices = @transform_3, window_bounds = array<i64: 2048, 512>}]} {
    %eq3A = arith.constant 0 : i32
    %eq3A_0 = arith.cmpi eq, %arg0, %eq3A : i32
    %convert_element_type3A = arith.extui %eq3A_0 : i1 to i32
    %cond3A = arith.constant 0 : i32
    %cond3A_1 = arith.cmpi ne, %convert_element_type3A, %cond3A : i32
    scf.if %cond3A_1 {
      %iota3A = tpu.iota {dimensions = array<i32: 1>} : vector<2048x512xi32>
      %get3A_25 = arith.constant 0 : index
      %get3A_26 = arith.constant 0 : index
      %get3A_27 = vector.load %arg1[%get3A_25, %get3A_26] : memref<2048x1xi32, #tpu.memory_space<vmem>>, vector<2048x1xi32>
      %eq3A_28 = vector.broadcast %get3A_27 : vector<2048x1xi32> to vector<2048x512xi32>
      %eq3A_29 = arith.cmpi eq, %iota3A, %eq3A_28 : vector<2048x512xi32>
      %get3A_30 = arith.constant 0 : index
      %get3A_31 = arith.constant 0 : index
      %get3A_32 = vector.load %arg2[%get3A_30, %get3A_31] : memref<2048x1xf32, #tpu.memory_space<vmem>>, vector<2048x1xf32>
      %jit3A = arith.constant 0.000000e+00 : f32
      %broadcast_in_dim3A_33 = vector.shape_cast %get3A_32 : vector<2048x1xf32> to vector<2048x1xf32>
      %broadcast_in_dim3A_34 = vector.broadcast %broadcast_in_dim3A_33 : vector<2048x1xf32> to vector<2048x512xf32>
      %broadcast_in_dim3A_35 = vector.broadcast %jit3A : f32 to vector<2048x512xf32>
      %select_n3A = arith.select %eq3A_29, %broadcast_in_dim3A_34, %broadcast_in_dim3A_35 : vector<2048x512xi1>, vector<2048x512xf32>
      %convert_element_type3A_36 = arith.truncf %select_n3A : vector<2048x512xf32> to vector<2048x512xbf16>
      %swap3A_37 = arith.constant 0 : index
      %swap3A_38 = arith.constant 0 : index
      %swap3A_39 = vector.load %arg5[%swap3A_37, %swap3A_38] : memref<2048x512xbf16, #tpu.memory_space<vmem>>, vector<2048x512xbf16>
      tpu.vector_store %arg5[%swap3A_37, %swap3A_38], %convert_element_type3A_36 {strides = array<i32>} : memref<2048x512xbf16, #tpu.memory_space<vmem>>, vector<2048x512xbf16>,
    } else {
    }
    %get3A = arith.constant 0 : index
    %get3A_2 = arith.constant 0 : index
    %get3A_3 = vector.load %arg3[%get3A, %get3A_2] : memref<2048x2048xf32, #tpu.memory_space<vmem>>, vector<2048x2048xf32>
    %convert_element_type3A_4 = arith.truncf %get3A_3 : vector<2048x2048xf32> to vector<2048x2048xbf16>
    %exp3A = math.exp %convert_element_type3A_4 : vector<2048x2048xbf16>
    %convert_element_type3A_5 = arith.extf %exp3A : vector<2048x2048xbf16> to vector<2048x2048xf32>
    %reduce_sum3A = arith.constant dense<0.000000e+00> : vector<2048xf32>
    %reduce_sum3A_6 = vector.multi_reduction <add>, %convert_element_type3A_5, %reduce_sum3A [1] : vector<2048x2048xf32> to vector<2048xf32>
    %broadcast_in_dim3A = vector.shape_cast %reduce_sum3A_6 : vector<2048xf32> to vector<2048x1xf32>
    %convert_element_type3A_7 = arith.truncf %broadcast_in_dim3A : vector<2048x1xf32> to vector<2048x1xbf16>
    %convert_element_type3A_8 = arith.extf %convert_element_type3A_7 : vector<2048x1xbf16> to vector<2048x1xf32>
    %get3A_9 = arith.constant 0 : index
    %get3A_10 = arith.constant 0 : index
    %get3A_11 = vector.load %arg5[%get3A_9, %get3A_10] : memref<2048x512xbf16, #tpu.memory_space<vmem>>, vector<2048x512xbf16>
    %dot_general3A = arith.constant dense<0.000000e+00> : vector<2048x512xf32>
    %dot_general3A_12 = tpu.matmul %exp3A, %get3A_11, %dot_general3A {dimension_numbers = #tpu.dot_dimension_numbers<[1], [0], [0], [1], [0, 0, 1, 1], [], []>, transpose_lhs_hint = false} : vector<2048x2048xbf16>, vector<2048x512xbf16>, vector<2048x512xf32> -> vector<2048x512xf32>
    %reduce_sum3A_13 = arith.constant dense<0.000000e+00> : vector<2048xf32>
    %reduce_sum3A_14 = vector.multi_reduction <add>, %dot_general3A_12, %reduce_sum3A_13 [1] : vector<2048x512xf32> to vector<2048xf32>
    %broadcast_in_dim3A_15 = vector.shape_cast %reduce_sum3A_14 : vector<2048xf32> to vector<2048x1xf32>
    %sub3A = arith.subf %broadcast_in_dim3A_15, %convert_element_type3A_8 : vector<2048x1xf32>
    %mul3A = arith.constant 0.001953125 : f32
    %mul3A_16 = vector.broadcast %mul3A : f32 to vector<2048x1xf32>
    %mul3A_17 = arith.mulf %sub3A, %mul3A_16 : vector<2048x1xf32>
    %sub3A_18 = vector.broadcast %mul3A_17 : vector<2048x1xf32> to vector<2048x512xf32>
    %sub3A_19 = arith.subf %dot_general3A_12, %sub3A_18 : vector<2048x512xf32>
    %log3A = math.log %sub3A_19 : vector<2048x512xf32>
    %log3A_20 = math.log %convert_element_type3A_8 : vector<2048x1xf32>
    %sub3A_21 = vector.broadcast %log3A_20 : vector<2048x1xf32> to vector<2048x512xf32>
    %sub3A_22 = arith.subf %log3A, %sub3A_21 : vector<2048x512xf32>
    %swap3A = arith.constant 0 : index
    %swap3A_23 = arith.constant 0 : index
    %swap3A_24 = vector.load %arg4[%swap3A, %swap3A_23] : memref<2048x512xf32, #tpu.memory_space<vmem>>, vector<2048x512xf32>
    tpu.vector_store %arg4[%swap3A, %swap3A_23], %sub3A_22 {strides = array<i32>} : memref<2048x512xf32, #tpu.memory_space<vmem>>, vector<2048x512xf32>,
    return
  }
  func.func @transform_0(%arg0: i32) -> (i32, i32) {
    %c0_i32 = arith.constant 0 : i32
    %c0_i32_0 = arith.constant 0 : i32
    %c0_i32_1 = arith.constant 0 : i32
    return %c0_i32, %c0_i32_0 : i32, i32
  }
  func.func @transform_1(%arg0: i32) -> (i32, i32) {
    %c0_i32 = arith.constant 0 : i32
    %c0_i32_0 = arith.constant 0 : i32
    %c0_i32_1 = arith.constant 0 : i32
    return %c0_i32, %c0_i32_0 : i32, i32
  }
  func.func @transform_2(%arg0: i32) -> (i32, i32) {
    %c0_i32 = arith.constant 0 : i32
    %c0_i32_0 = arith.constant 0 : i32
    return %arg0, %c0_i32 : i32, i32
  }
  func.func @transform_3(%arg0: i32) -> (i32, i32) {
    %c0_i32 = arith.constant 0 : i32
    %c0_i32_0 = arith.constant 0 : i32
    return %arg0, %c0_i32 : i32, i32
  }
}

</mosaic_0001>

<sc_bundles>
// kernel: kernel.4.cloned.1.call-start
scs
__scs_entry_jumppad:
0x0: {  	(pc) =	sbr.rel $0x88, $3  }
0x1: {  	(tag) =	ssettag $0x0;
	lr =	simm.s32 $0x1  }
0x2: {  	[smem:$0x3F9D] =	sst lr;
	_ =	strace $0xD0000000  }
0x3: {  	_ = 	snop  }
0x4: {  	_ = 	snop  }
0x5: {  	_ = 	snop  }
0x6: {  	_ = 	snop  }
0x7: {  	_ = 	snop  }
__scs_overlays_trampoline_lowered:
0x8: {  	[smem:$0x3FAC] =	sst s0  }
0x9: {  	[smem:$0x3FAD] =	sst s1  }
0xa: {  	[smem:$0x3FAE] =	sst s2  }
0xb: {  	[smem:$0x3FAF] =	sst s3  }
0xc: {  	[smem:$0x3FB0] =	sst s4  }
0xd: {  	[smem:$0x3FB1] =	sst s5  }
0xe: {  	[smem:$0x3FB2] =	sst s6  }
0xf: {  	[smem:$0x3FB3] =	sst s7  }
0x10: {  	[smem:$0x3FB4] =	sst s8  }
0x11: {  	[smem:$0x3FB5] =	sst s9;
	s0 =	simm.s32 @!p0 $0x0  }
0x12: {  	s1 =	sld [smem:$0x3F9B];
	s0 =	simm.s32 @p0 $0x1  }
0x13: {  	[smem:$0x3FB6] =	sst s0;
	s0 =	simm.s32 @!p1 $0x0  }
0x14: {  	s2 =	sld [smem:$0x3F9A];
	s0 =	simm.s32 @p1 $0x1  }
0x15: {  	[smem:$0x3FB7] =	sst s0;
	s0 =	simm.s32 @!p2 $0x0  }
0x16: {  	s3 =	sld [smem:$0x3FDB];
	s0 =	simm.s32 @p2 $0x1  }
0x17: {  	s4 =	simm.s32 $0x1BF5;
	[smem:$0x3FB9] =	sst s0  }
0x18: {  	s0 =	sld [smem:$0x3F9C];
	_ =	swait.ge [sflag:s4], $0x0  }
0x19: {  	s7 =	sld [smem:$0x3F9D]  }
0x1a: {  	s8 =	sadd.s32 $0xFFFFE003, lr  }
0x1b: {  	s9 =	sadd.s32 $0xFFFFFEF7, lr;
	s5 =	simm.s32 $0xFFFFFFFF;
	p2 =	slt.u32 s8, $0xFFFFF086  }
0x1c: {  	p1 =	slt.u32 s9, $0xF7A;
	s5 =	simm.s32 @!p2 $0x0  }
0x1d: {  	s5 =	simm.s32 @p1 $0x1;
	p0 =	seq.s32 s7, s2  }
0x1e: {  	s7 =	smul.u32 @!p0 $0xF7A, s2;
	p2 =	seq.s32 @!p0 s5, $0x0  }
0x1f: {  	s9 =	smul.u32 $0xF7A, s1;
	s8 =	simm.s32 @!p0 $0x1BF5;
	p2 =	por !p2, p0  }
0x20: {  	[sflag:s8] =	ssyncset.s32 @!p0 $0xFFFFF086;
	s6 =	sadd.s32 @!p0 s3, s7;
	s7 =	simm.s32 @!p0 $0x108  }
0x21: {  	s3 =	sadd.s32 s3, s9;
	s6 =	sadd.s32 @!p0 $0x88, s6;
	s7 =	simm.s32 @p2 $0x1082  }
0x22: {  	[simem:s7], [sflag:s8] =	dma.local @!p0 [hbm:s6], $0xF7A  }
0x23: {  	s9 =	sor.u32 $0xD0000000, s2;
	s6 =	simm.s32 $0x108;
	_ =	swait.ge @!p0 [sflag:s8], $0x0  }
0x24: {  	s3 =	sadd.s32 $0x88, s3;
	s6 =	simm.s32 @!p1 $0x1082;
	[sflag:s4] =	ssyncset.s32 $0xFFFFF086  }
0x25: {  	[simem:s6], [sflag:s4] =	dma.local [hbm:s3], $0xF7A  }
0x26: {  	[smem:$0x3F9D] =	sst s1;
	(tag) =	ssettag s2;
	_ =	strace s9  }
0x27: {  	s1 =	sld [smem:$0x3FAD]  }
0x28: {  	s2 =	sld [smem:$0x3FAE]  }
0x29: {  	s4 =	sld [smem:$0x3FB0]  }
0x2a: {  	p0 =	seq.s32 s5, $0x0;
	s5 =	sld [smem:$0x3FB1]  }
0x2b: {  	s6 =	sld [smem:$0x3FB2]  }
0x2c: {  	s7 =	sld [smem:$0x3FB3]  }
0x2d: {  	s3 =	simm.s32 $0x108;
	s8 =	sld [smem:$0x3FB4]  }
0x2e: {  	s3 =	simm.s32 @!p0 $0x1082;
	s9 =	sld [smem:$0x3FB5]  }
0x2f: {  	lr =	sadd.s32 s0, s3;
	s0 =	sld [smem:$0x3FAC]  }
0x30: {  	s3 =	sld [smem:$0x3FAF]  }
0x31: {  	[smem:$0x3FB8] =	sst s10  }
0x32: {  	s10 =	sld [smem:$0x3FB6];
	_ =	sdelay $0x3  }
0x33: {  	p0 =	seq.s32 s10, $0x1;
	s10 =	sld [smem:$0x3FB8];
	_ =	sdelay $0x3  }
0x34: {  	[smem:$0x3FB8] =	sst s10  }
0x35: {  	s10 =	sld [smem:$0x3FB7];
	_ =	sdelay $0x3  }
0x36: {  	p1 =	seq.s32 s10, $0x1;
	s10 =	sld [smem:$0x3FB8];
	_ =	sdelay $0x3  }
0x37: {  	[smem:$0x3FB8] =	sst s10  }
0x38: {  	s10 =	sld [smem:$0x3FB9]  }
0x39: {  	_ = 	snop;
	(pc) =	sbr.ind lr, $3  }
0x3a: {  	_ = 	snop  }
0x3b: {  	_ = 	snop  }
0x3c: {  	p2 =	seq.s32 s10, $0x1;
	s10 =	sld [smem:$0x3FB8]  }
0x3d: {  	_ =	shalt  }
0x3e: {  	_ =	shalt  }
0x3f: {  	_ =	shalt  }
0x40: {  	_ =	shalt  }
0x41: {  	_ =	shalt  }
0x42: {  	_ =	shalt  }
0x43: {  	_ =	shalt  }
0x44: {  	_ =	shalt  }
0x45: {  	_ =	shalt  }
0x46: {  	_ =	shalt  }
0x47: {  	_ =	shalt  }
0x48: {  	_ =	shalt  }
0x49: {  	_ =	shalt  }
0x4a: {  	_ =	shalt  }
0x4b: {  	_ =	shalt  }
0x4c: {  	_ =	shalt  }
0x4d: {  	_ =	shalt  }
0x4e: {  	_ =	shalt  }
0x4f: {  	_ =	shalt  }
0x50: {  	_ =	shalt  }
0x51: {  	_ =	shalt  }
0x52: {  	_ =	shalt  }
0x53: {  	_ =	shalt  }
0x54: {  	_ =	shalt  }
0x55: {  	_ =	shalt  }
0x56: {  	_ =	shalt  }
0x57: {  	_ =	shalt  }
0x58: {  	_ =	shalt  }
0x59: {  	_ =	shalt  }
0x5a: {  	_ =	shalt  }
0x5b: {  	_ =	shalt  }
0x5c: {  	_ =	shalt  }
0x5d: {  	_ =	shalt  }
0x5e: {  	_ =	shalt  }
0x5f: {  	_ =	shalt  }
0x60: {  	_ =	shalt  }
0x61: {  	_ =	shalt  }
0x62: {  	_ =	shalt  }
0x63: {  	_ =	shalt  }
0x64: {  	_ =	shalt  }
0x65: {  	_ =	shalt  }
0x66: {  	_ =	shalt  }
0x67: {  	_ =	shalt  }
0x68: {  	_ =	shalt  }
0x69: {  	_ =	shalt  }
0x6a: {  	_ =	shalt  }
0x6b: {  	_ =	shalt  }
0x6c: {  	_ =	shalt  }
0x6d: {  	_ =	shalt  }
0x6e: {  	_ =	shalt  }
0x6f: {  	_ =	shalt  }
0x70: {  	_ =	shalt  }
0x71: {  	_ =	shalt  }
0x72: {  	_ =	shalt  }
0x73: {  	_ =	shalt  }
0x74: {  	_ =	shalt  }
0x75: {  	_ =	shalt  }
0x76: {  	_ =	shalt  }
0x77: {  	_ =	shalt  }
0x78: {  	_ =	shalt  }
0x79: {  	_ =	shalt  }
0x7a: {  	_ =	shalt  }
0x7b: {  	_ =	shalt  }
0x7c: {  	_ =	shalt  }
0x7d: {  	_ =	shalt  }
0x7e: {  	_ =	shalt  }
0x7f: {  	_ =	shalt  }
0x80: {  	_ =	shalt  }
0x81: {  	_ =	shalt  }
0x82: {  	_ =	shalt  }
0x83: {  	_ =	shalt  }
0x84: {  	_ =	shalt  }
0x85: {  	_ =	shalt  }
0x86: {  	_ =	shalt  }
0x87: {  	_ =	shalt  }
.Lfunc_end0:
.L_simem_size_0:
called_computation_lowered:
.L_overlay_start_0:
0x88: {  	s2 =	sld [smem:$0x3FD9]  }
0x89: {  	s3 =	sld [smem:$0x3FFE];
	_ =	sdelay $0x1  }
0x8a: {  	s1 =	srdreg.scid  }
0x8b: {  	s0 =	sand.u32 $0x1, s1  }
0x8c: {  	s17 =	sshll.u32 s0, $0xA;
	s2 =	sadd.s32 s3, s2  }
0x8d: {  	s2 =	sadd.s32 s2, s17  }
0x8e: {  	[smem:$0x3FC4] =	sst s2  }
0x8f: {  	_ = 	snop  }
0x90: {  	s2 =	sld [smem:$0x3FC8]  }
0x91: {  	s18 =	sld [smem:$0x3FC7]  }
0x92: {  	s4 =	sld [smem:$0x3FC6]  }
0x93: {  	s5 =	sld [smem:$0x3FD0];
	(tm) =	ssettm $0x1  }
0x94: {  	s6 =	sld [smem:$0x3FFB];
	_ =	sdelay $0x3  }
0x95: {  	_ =	strace s6  }
0x96: {  	s6 =	sld [smem:$0x3FFC];
	_ =	sdelay $0x3  }
0x97: {  	_ =	strace s6  }
0x98: {  	s6 =	sld [smem:$0x3FFD];
	_ =	sdelay $0x3  }
0x99: {  	_ =	strace s6  }
0x9a: {  	_ =	strace $0x8FFFFFFF  }
0x9b: {  	s19 =	sld [smem:$0x3FDB];
	_ =	sdelay $0x1  }
0x9c: {  	s7 =	simm.s32 $_scs_section_size  }
0x9d: {  	s8 =	simm.s32 $_size__tile_overlayer_lowered;
	s9 =	simm.s32 $_tile_overlayer_lowered  }
0x9e: {  	s22 =	simm.s32 $0x1BFF;
	s21 =	sshll.u32 s9, $0x1;
	s6 =	sadd.s32 s7, s19  }
0x9f: {  	s10 =	simm.s32 $0x0;
	s20 =	sshll.u32 s8, $0x1;
	s8 =	sadd.s32 s21, s6  }
0xa0: {  	[timem:s10], [sflag:s22] =	dma.local [hbm:s8], s20  }
0xa1: {  	_ =	swait.ge [sflag:s22], s20  }
0xa2: {  	s7 =	ssub.s32 $0x0, s20;
	[sflag:s22] =	ssyncset.done $0x0  }
0xa3: {  	[sflag:s22] =	ssyncadd.s32 s7;
	_ =	sdelay $0x1  }
0xa4: {  	s23 =	simm.s32 $0x1B8B  }
0xa5: {  	_ =	swait.ge [sflag:s23], $0x1  }
0xa6: {  	[sflag:s23] =	ssyncset.done $0x0  }
0xa7: {  	s25 =	simm.s32 $0x1B8E;
	s24 =	sld [smem:$0x3FFE];
	[sflag:s23] =	ssyncadd.s32 $0xFFFFFFFF  }
0xa8: {  	s26 =	simm.s32 $execute0_lowered;
	[smem:$0x3FD2] =	sst s25  }
0xa9: {  	s8 =	sshll.u32 s26, $0x1;
	_ =	strace $0x80000046;
	[dreg:$0x1] =	wrdreg $0xFFFFFFFF  }
0xaa: {  	s28 =	simm.s32 $_size_execute0_lowered;
	s6 =	sadd.s32 s6, s8;
	[dreg:$0x0] =	wrdreg $0x0  }
0xab: {  	s8 =	sshll.u32 s28, $0x1;
	[dreg:$0x2] =	wrdreg s6  }
0xac: {  	[dreg:$0x3] =	wrdreg s8  }
0xad: {  	[dreg:$0x4] =	wrdreg $0xC0  }
0xae: {  	_ =	task [dreg:s10], $0x5FFFF  }
0xaf: {  	[dreg:$0x1] =	wrdreg $0xFFFFFFFF  }
0xb0: {  	[dreg:$0x0] =	wrdreg $0x60  }
0xb1: {  	[dreg:$0x2] =	wrdreg s18  }
0xb2: {  	[dreg:$0x3] =	wrdreg s4  }
0xb3: {  	[dreg:$0x4] =	wrdreg s2  }
0xb4: {  	[dreg:$0x5] =	wrdreg s5  }
0xb5: {  	[dreg:$0x6] =	wrdreg s24  }
0xb6: {  	[dreg:$0x7] =	wrdreg $0x9  }
0xb7: {  	_ =	task.clear_ibuf [dreg:s10], $0x8FFFF;
	_ =	strace $0x90000046  }
0xb8: {  	s29 =	simm.s32 $0x9;
	_ =	strace $0x80000048  }
0xb9: {  	_ =	swait.ge [sflag:s29], $0x1  }
0xba: {  	[sflag:s29] =	ssyncadd.s32 $0xFFFFFFFF  }
0xbb: {  	_ =	strace $0x90000048  }
0xbc: {  	_ =	sfence  }
0xbd: {  	s30 =	sld [smem:$0x0];
	_ =	sdelay $0x2  }
0xbe: {  	s31 =	sshll.u32 s1, $0xD;
	s1 =	sshrl.u32 s1, $0x2  }
0xbf: {  	s3 =	sand.u32 $0x4000, s31;
	s1 =	sadd.s32 s1, s30  }
0xc0: {  	s0 =	sor.u32 s3, s0;
	s1 =	sshll.u32 s1, $0x11  }
0xc1: {  	s0 =	sor.u32 s1, s0  }
0xc2: {  	s0 =	sadd.s32 $0x8F2B, s0  }
0xc3: {  	[sflag:s0] =	ssyncadd.remote.s32 $0x1  }
0xc4: {  	_ =	sfence.sel $0xFFFF  }
0xc5: {  	[dreg:$0x0] =	wrdreg $0xFFFFFFFF;
	(pc) =	sbr.abs _section_cstart, $3  }
0xc6: {  	[dreg:$0x1] =	wrdreg $0xFFFFFFFF  }
0xc7: {  	_ =	task.clear_ibuf [dreg:s10], $0x2FFFF;
	_ =	strace $0x9FFFFFFF  }
0xc8: {  	(tm) =	ssettm $0x7FFFFFFF  }
0xc9: {  	_ =	shalt  }
tec
execute0_lowered:
.L_overlay_start_1:
0x0: {  	(tag) =	ssettag $0x1  }
0x1: {  	s4 =	rddreg [dreg:$0x0]  }
0x2: {  	s6 =	rddreg [dreg:$0x1]  }
0x3: {  	s8 =	rddreg [dreg:$0x2]  }
0x4: {  	s2 =	rddreg [dreg:$0x3]  }
0x5: {  	s11 =	rddreg [dreg:$0x4];
	s3 =	srdreg.scid  }
0x6: {  	s0 =	rddreg [dreg:$0x5];
	s1 =	stileid.u32;
	s10 =	sand.u32 $0x1, s3  }
0x7: {  	s3 =	simm.s32 $0x0;
	s5 =	sshll.u32 s1, $0x4;
	s7 =	sshll.u32 s10, $0x3  }
0x8: {  	[smem:$0x7FF] =	sst s3;
	s9 =	sor.u32 s7, s5  }
0x9: {  	_ =	strace $0x80000047;
	s5 =	simm.s32 $0x2;
	s4 =	sadd.s32 s4, s9  }
0xa: {  	[tilespmem:s3], [sflag:$0x2] =	stream.linear.gather [hbm4b:s4+s3], $0x40, $0x38;
	[tilespmem:$0x180] =	vst v63  }
0xb: {  	_ =	swait.ge [sflag:s5], $0x40  }
0xc: {  	[sflag:s5] =	ssyncset.done $0x0  }
0xd: {  	s7 =	simm.s32 $0x80;
	s6 =	sadd.s32 s6, s9;
	[sflag:s5] =	ssyncadd.s32 $0xFFFFFFC0  }
0xe: {  	[tilespmem:s7], [sflag:$0x2] =	stream.linear.gather [hbm4b:s6+s3], $0x40, $0x38;
	[tilespmem:$0x180] =	vst v63  }
0xf: {  	_ =	swait.ge [sflag:s5], $0x40  }
0x10: {  	[sflag:s5] =	ssyncset.done $0x0  }
0x11: {  	s8 =	sadd.s32 s8, s9;
	s9 =	simm.s32 $0x100;
	[sflag:s5] =	ssyncadd.s32 $0xFFFFFFC0  }
0x12: {  	[tilespmem:s9], [sflag:$0x2] =	stream.linear.gather [hbm4b:s8+s3], $0x40, $0x38;
	[tilespmem:$0x180] =	vst v63  }
0x13: {  	_ =	swait.ge [sflag:s5], $0x40  }
0x14: {  	[sflag:s5] =	ssyncset.done $0x0  }
0x15: {  	[sflag:s5] =	ssyncadd.s32 $0xFFFFFFC0  }
0x16: {  	v0 =	vld [tilespmem:$0x130]  }
0x17: {  	v1 =	vld [tilespmem:$0x120]  }
0x18: {  	v2 =	vld [tilespmem:$0x100]  }
0x19: {  	v3 =	vld [tilespmem:$0x110];
	_ =	sdelay $0x1  }
0x1a: {  	v0 =	vmul.f32 $1.442695020e+00, v0  }
0x1b: {  	v1 =	vmul.f32 $1.442695020e+00, v1  }
0x1c: {  	v2 =	vmul.f32 $1.442695020e+00, v2;
	(erf) = vpow2.f32 v0  }
0x1d: {  	v59 =	vmul.f32 $1.442695020e+00, v3;
	(erf) = vpow2.f32 v1  }
0x1e: {  	(erf) = vpow2.f32 v2  }
0x1f: {  	(erf) = vpow2.f32 v59;
	_ =	sdelay $0x5  }
0x20: {  	s10 =	ssub.s32 $0x2, s10;
	v60 =	vpop (erf)  }
0x21: {  	s12 =	sshrl.u32 s10, $0x1;
	[tilespmem:$0x130] =	vst v60;
	v61 =	vpop (erf)  }
0x22: {  	s13 =	ssub.s32 s10, s12;
	[tilespmem:$0x120] =	vst v61;
	v62 =	vpop (erf)  }
0x23: {  	s13 =	smax.u32 s13, $0x1;
	[tilespmem:$0x100] =	vst v62;
	v63 =	vpop (erf)  }
0x24: {  	s10 =	simm.s32 $0x40;
	p0 =	sne.s32 s13, $0x1;
	[tilespmem:$0x110] =	vst v63  }
0x25: {  	[hbm4b:s2+s10] =	stream.indirect.scatter [tilespmem:s7], [sflag:$0x1], $0x1, s3, s10, $0xb8;
	[tilespmem:$0x180] =	vst v63  }
.Ltmp0:
0x26: {  	_ = 	snop;
	(pc) =	sbr.rel @!p0 .LBB2_2-.Ltmp0, $4  }
0x27: {  	s12 =	sadd.s32 $0x800, s11;
	s11 =	simm.s32 $0x1  }
0x28: {  	[hbm4b:s12+s10] =	stream.indirect.scatter [tilespmem:s9], [sflag:$0x1], $0x1, s3, s10, $0xb8;
	[tilespmem:$0x180] =	vst v63  }
0x29: {  	_ =	swait.ge [sflag:s11], $0x40  }
0x2a: {  	s13 =	sadd.s32 $0xFFFFFFFF, s13;
	[sflag:s11] =	ssyncset.done $0x0  }
.LBB2_1:
0x2b: {  	p0 =	sne.s32 s13, $0x1;
	s13 =	sadd.s32 $0xFFFFFFFF, s13;
	[sflag:s11] =	ssyncadd.s32 $0xFFFFFFC0  }
0x2c: {  	_ =	swait.ge [sflag:s11], $0x40  }
0x2d: {  	[sflag:s11] =	ssyncset.done $0x0  }
0x2e: {  	[sflag:s11] =	ssyncadd.s32 $0xFFFFFFC0  }
0x2f: {  	[tilespmem:s3], [sflag:$0x2] =	stream.linear.gather [hbm4b:s4+s3], $0x40, $0x38;
	[tilespmem:$0x180] =	vst v63  }
0x30: {  	_ =	swait.ge [sflag:s5], $0x40  }
0x31: {  	[sflag:s5] =	ssyncset.done $0x0  }
0x32: {  	[sflag:s5] =	ssyncadd.s32 $0xFFFFFFC0  }
0x33: {  	[tilespmem:s7], [sflag:$0x2] =	stream.linear.gather [hbm4b:s6+s3], $0x40, $0x38;
	[tilespmem:$0x180] =	vst v63  }
0x34: {  	_ =	swait.ge [sflag:s5], $0x40  }
0x35: {  	[sflag:s5] =	ssyncset.done $0x0  }
0x36: {  	[sflag:s5] =	ssyncadd.s32 $0xFFFFFFC0  }
0x37: {  	[tilespmem:s9], [sflag:$0x2] =	stream.linear.gather [hbm4b:s8+s3], $0x40, $0x38;
	[tilespmem:$0x180] =	vst v63  }
0x38: {  	_ =	swait.ge [sflag:s5], $0x40  }
0x39: {  	[sflag:s5] =	ssyncset.done $0x0  }
0x3a: {  	[sflag:s5] =	ssyncadd.s32 $0xFFFFFFC0  }
0x3b: {  	v0 =	vld [tilespmem:$0x130]  }
0x3c: {  	v1 =	vld [tilespmem:$0x120]  }
0x3d: {  	v2 =	vld [tilespmem:$0x100]  }
0x3e: {  	v3 =	vld [tilespmem:$0x110];
	_ =	sdelay $0x1  }
0x3f: {  	v0 =	vmul.f32 $1.442695020e+00, v0  }
0x40: {  	v1 =	vmul.f32 $1.442695020e+00, v1  }
0x41: {  	v2 =	vmul.f32 $1.442695020e+00, v2;
	(erf) = vpow2.f32 v0  }
0x42: {  	v0 =	vmul.f32 $1.442695020e+00, v3;
	(erf) = vpow2.f32 v1  }
0x43: {  	(erf) = vpow2.f32 v2  }
0x44: {  	(erf) = vpow2.f32 v0;
	_ =	sdelay $0x5  }
0x45: {  	v0 =	vpop (erf)  }
0x46: {  	[tilespmem:$0x130] =	vst v0;
	v0 =	vpop (erf)  }
0x47: {  	[tilespmem:$0x120] =	vst v0;
	v0 =	vpop (erf)  }
0x48: {  	[tilespmem:$0x100] =	vst v0;
	v0 =	vpop (erf)  }
0x49: {  	[tilespmem:$0x110] =	vst v0  }
0x4a: {  	[hbm4b:s2+s10] =	stream.indirect.scatter [tilespmem:s7], [sflag:$0x1], $0x1, s3, s10, $0xb8;
	[tilespmem:$0x180] =	vst v63  }
.Ltmp1:
0x4b: {  	_ = 	snop;
	(pc) =	sbr.rel @p0 .LBB2_1-.Ltmp1, $4  }
0x4c: {  	_ = 	snop  }
0x4d: {  	[hbm4b:s12+s10] =	stream.indirect.scatter [tilespmem:s9], [sflag:$0x1], $0x1, s3, s10, $0xb8;
	[tilespmem:$0x180] =	vst v63  }
0x4e: {  	_ =	swait.ge [sflag:s11], $0x40  }
0x4f: {  	[sflag:s11] =	ssyncset.done $0x0  }
.LBB2_2:
0x50: {  	[sflag:s11] =	ssyncadd.s32 $0xFFFFFFC0  }
0x51: {  	_ =	swait.ge [sflag:s11], $0x40  }
0x52: {  	[sflag:s11] =	ssyncset.done $0x0  }
0x53: {  	[sflag:s11] =	ssyncadd.s32 $0xFFFFFFC0  }
0x54: {  	_ =	sfence.sel $0x180000  }
0x55: {  	[bflag:$0x0] =	sbarrier.arrive $0xFFFF  }
0x56: {  	p0 =	sne.s32 s1, $0x0;
	_ =	strace $0x90000047  }
0x57: {  	s0 =	sadd.s32 @!p0 $0x100000, s0;
	[bflag:$0x2] =	sbarrier.arrive $0xFFFF  }
0x58: {  	[sflag:s0] =	ssyncadd.tile.s32 @!p0 $0x1;
	_ =	shalt  }
.Lfunc_end2:
_tile_overlayer_lowered:
.L_overlay_start_2:
0x59: {  	(tag) =	ssettag $0x2  }
0x5a: {  	s0 =	rddreg [dreg:$0x0];
	s2 =	stileid.u32  }
0x5b: {  	s1 =	rddreg [dreg:$0x1];
	p0 =	sne.s32 s2, $0x0  }
0x5c: {  	s3 =	rddreg [dreg:$0x2];
	[bflag:$0x3] =	sbarrier.arrive $0xFFFF;
	s2 =	simm.s32 @!p0 $0x1C02  }
0x5d: {  	[timem:s3], [sflag:s2] =	dma.local @!p0 [hbm:s0], s1  }
0x5e: {  	s0 =	simm.s32 @!p0 $0x2  }
0x5f: {  	_ =	swait.ge @!p0 [sflag:s0], s1  }
0x60: {  	s1 =	ssub.s32 @!p0 $0x0, s1;
	[sflag:s0] =	ssyncset.done @!p0 $0x0  }
0x61: {  	[sflag:s0] =	ssyncadd.s32 @!p0 s1  }
0x62: {  	[bflag:$0x3] =	sbarrier.arrive $0xFFFF  }
0x63: {  	_ =	shalt  }

</sc_bundles>
